<compile_context>
chip_gen: v7x
topology: tpu7x:2x2x1
jax: 0.10.2.dev20260603
libtpu: 0.0.44.dev20260713+nightly
codegen_flags: <defaults>
</compile_context>

<pallas_src>
import functools

import jax
import jax.numpy as jnp
from jax import lax
from jax.experimental import pallas as pl
from jax.experimental.pallas import tpu as pltpu
from jax.experimental.pallas import tpu_sc as plsc

N = 10000
E = 320000
D = 128

NC = 2
NS = 16
NW = NC * NS

EPW = E // NW
CHUNK = 80
NCHUNK = EPW // CHUNK
N_PAD = 10240
ROWS_PER_TILE = N_PAD // NS


def _sc_mesh():
    return plsc.VectorSubcoreMesh(
        core_axis_name="c", subcore_axis_name="s", num_cores=NC, num_subcores=NS
    )


@functools.partial(
    pl.kernel,
    out_type=jax.ShapeDtypeStruct((NC * N_PAD, D), jnp.float32),
    mesh=_sc_mesh(),
    scratch_types=[
        pltpu.VMEM((EPW,), jnp.int32),
        pltpu.VMEM((NCHUNK, CHUNK), jnp.int32),
        pltpu.VMEM((CHUNK, D), jnp.float32),
        pltpu.VMEM((CHUNK, D), jnp.float32),
        pltpu.VMEM_SHARED((N_PAD, D), jnp.float32),
        pltpu.SemaphoreType.DMA,
        pltpu.SemaphoreType.DMA,
    ],
)
def _sc_aggregate(x_hbm, src_hbm, dst_hbm, zeros_hbm, out_hbm,
                  src_v, dst_v, rows_a, rows_b, agg_sh, sem_a, sem_b):
    cid = lax.axis_index("c")
    sid = lax.axis_index("s")
    wid = sid * NC + cid

    pltpu.sync_copy(
        zeros_hbm, agg_sh.at[pl.ds(sid * ROWS_PER_TILE, ROWS_PER_TILE)]
    )

    pltpu.sync_copy(src_hbm.at[pl.ds(wid * EPW, EPW)], src_v)
    pltpu.sync_copy(dst_hbm.at[wid], dst_v)
    plsc.subcore_barrier()

    def start_gather(j, buf, sem):
        idx = src_v.at[pl.ds(j * CHUNK, CHUNK)]
        pltpu.async_copy(x_hbm.at[idx], buf, sem)

    def wait_gather(buf, sem):
        pltpu.make_async_copy(x_hbm.at[pl.ds(0, CHUNK)], buf, sem).wait()

    def scatter(j, buf):
        pltpu.sync_copy(buf, agg_sh.at[dst_v.at[j]], add=True)

    start_gather(0, rows_a, sem_a)

    def body(i, carry):
        start_gather(2 * i + 1, rows_b, sem_b)
        wait_gather(rows_a, sem_a)
        scatter(2 * i, rows_a)
        start_gather(2 * i + 2, rows_a, sem_a)
        wait_gather(rows_b, sem_b)
        scatter(2 * i + 1, rows_b)
        return carry

    lax.fori_loop(0, (NCHUNK - 1) // 2, body, 0)
    wait_gather(rows_a, sem_a)
    scatter(NCHUNK - 1, rows_a)
    plsc.subcore_barrier()

    pltpu.sync_copy(
        agg_sh.at[pl.ds(sid * ROWS_PER_TILE, ROWS_PER_TILE)],
        out_hbm.at[pl.ds(cid * N_PAD + sid * ROWS_PER_TILE, ROWS_PER_TILE)],
    )


TC_BLOCK = 1280
TC_GRID = N_PAD // TC_BLOCK


def _tc_body(p0_ref, p1_ref, w_ref, b_ref, o_ref):
    a = p0_ref[...] + p1_ref[...]
    acc = jnp.dot(a, w_ref[...], preferred_element_type=jnp.float32) + b_ref[...]
    o_ref[...] = acc * jax.nn.sigmoid(acc)


def _tc_finish(partials, W, b2d):
    return pl.pallas_call(
        _tc_body,
        out_shape=jax.ShapeDtypeStruct((N, D), jnp.float32),
        grid=(TC_GRID,),
        in_specs=[
            pl.BlockSpec((TC_BLOCK, D), lambda i: (i, 0)),
            pl.BlockSpec((TC_BLOCK, D), lambda i: (TC_GRID + i, 0)),
            pl.BlockSpec((D, D), lambda i: (0, 0)),
            pl.BlockSpec((1, D), lambda i: (0, 0)),
        ],
        out_specs=pl.BlockSpec((TC_BLOCK, D), lambda i: (i, 0)),
    )(partials, partials, W, b2d)


@jax.jit
def kernel(x, edge_index, W, b):
    src = edge_index[0]
    dst = edge_index[1].reshape(NW, NCHUNK, CHUNK)
    zeros = jnp.zeros((ROWS_PER_TILE, D), jnp.float32)
    partials = _sc_aggregate(x, src, dst, zeros)
    return _tc_finish(partials, W, b.reshape(1, D))

# --- scband reference (transcript-rebuilt; emitter-appended) ---
"""Pipeline reference for scband-neural-network-81003083203462 (READ-ONLY COPY).

The authoritative reference and input builder live on the scoring server;
editing this copy changes nothing except your own understanding.
"""

import jax, jax.numpy as jnp
import numpy as np

N = 10000
E = 320000
D = 128

def setup_inputs(seed: int = 0) -> dict:
    key = jax.random.key(seed)
    k1, k2, k3, k4 = jax.random.split(key, 4)
    x = jax.random.normal(k1, (N, D), dtype=jnp.float32)
    edge_index = jax.random.randint(k2, (2, E), 0, N, dtype=jnp.int32)
    W = jax.random.normal(k3, (D, D), dtype=jnp.float32) * 0.05
    b = jnp.zeros((D,), dtype=jnp.float32)
    return {"x": x, "edge_index": edge_index, "W": W, "b": b}

def reference(x, edge_index, W, b):
    # Message passing over a DAG-like edge structure, fired via gather/scatter:
    # 1) gather source-neuron values along edges (the per-edge 'message')
    # 2) scatter-add messages into destination neurons (weighted aggregation)
    # 3) affine transform + silu hidden activation (matches hidden_activation=jnn.silu)
    src = edge_index[0]
    dst = edge_index[1]
    msgs = jnp.take(x, src, axis=0)                      # gather: [E, D]
    agg = jnp.zeros_like(x).at[dst].add(msgs)            # scatter-add: [N, D]
    out = jax.nn.silu(agg @ W + b)                       # affine + activation
    return out

if __name__ == "__main__":
    import jax
    _d = setup_inputs()
    print(jax.jit(kernel)(*tuple(_d.values())))

</pallas_src>

<mosaic_0001>
#map = affine_map<(d0, d1) -> (0, 0)>
#map1 = affine_map<(d0, d1) -> (0)>
#map2 = affine_map<(d0, d1) -> (0, 0, 0)>
module attributes {stable_mosaic.version = 14 : i64} {
  func.func @_sc_aggregate(%arg0: i32, %arg1: i32, %arg2: memref<10000x128xf32, #tpu.memory_space<hbm>>, %arg3: memref<320000xi32, #tpu.memory_space<hbm>>, %arg4: memref<32x125x80xi32, #tpu.memory_space<hbm>>, %arg5: memref<640x128xf32, #tpu.memory_space<hbm>>, %arg6: memref<20480x128xf32, #tpu.memory_space<hbm>>, %arg7: memref<10000xi32, #tpu.memory_space<vmem>>, %arg8: memref<125x80xi32, #tpu.memory_space<vmem>>, %arg9: memref<80x128xf32, #tpu.memory_space<vmem>>, %arg10: memref<80x128xf32, #tpu.memory_space<vmem>>, %arg11: memref<10240x128xf32, #tpu.memory_space<vmem_shared>>, %arg12: memref<!tpu.dma_semaphore, #tpu.memory_space<semaphore_mem>>, %arg13: memref<!tpu.dma_semaphore, #tpu.memory_space<semaphore_mem>>) attributes {dimension_semantics = [#tpu.dimension_semantics<core_parallel>, #tpu.dimension_semantics<subcore_parallel>], iteration_bounds = array<i64: 2, 16>, scalar_prefetch = 0 : i64, scratch_operands = 7 : i64, tpu.core_type = #tpu.core_type<sc_vector_subcore>, window_params = [{transform_indices = #map}, {transform_indices = #map1}, {transform_indices = #map2}, {transform_indices = #map}, {transform_indices = #map}]} {
    %mul3A = arith.constant 2 : i32
    %mul3A_0 = arith.muli %arg1, %mul3A : i32
    %add3A = arith.addi %mul3A_0, %arg0 : i32
    %mul3A_1 = arith.constant 640 : i32
    %mul3A_2 = arith.muli %arg1, %mul3A_1 : i32
    "tpu.region"() ({
      %run_scoped3A_27 = tpu.sem_alloc : memref<!tpu.dma_semaphore, #tpu.memory_space<semaphore_mem>>
      %dma_start3A_28 = arith.constant 0 : i32
      %dma_start3A_29 = tpu.memref_slice %arg11[%mul3A_2, %dma_start3A_28] : memref<10240x128xf32, #tpu.memory_space<vmem_shared>> -> memref<640x128xf32, #tpu.memory_space<vmem_shared>>
      tpu.enqueue_dma source(%arg5 : memref<640x128xf32, #tpu.memory_space<hbm>>) target(%dma_start3A_29 : memref<640x128xf32, #tpu.memory_space<vmem_shared>>) target_semaphore(%run_scoped3A_27 : memref<!tpu.dma_semaphore, #tpu.memory_space<semaphore_mem>>)
      %dma_wait3A_30 = arith.constant 0 : i32
      %dma_wait3A_31 = tpu.memref_slice %arg11[%mul3A_2, %dma_wait3A_30] : memref<10240x128xf32, #tpu.memory_space<vmem_shared>> -> memref<640x128xf32, #tpu.memory_space<vmem_shared>>
      tpu.wait_dma2 semaphore(%run_scoped3A_27 : memref<!tpu.dma_semaphore, #tpu.memory_space<semaphore_mem>>) src(%arg5 : memref<640x128xf32, #tpu.memory_space<hbm>>) dst(%dma_wait3A_31 : memref<640x128xf32, #tpu.memory_space<vmem_shared>>)
      tpu.yield
    }) : () -> ()
    %mul3A_3 = arith.constant 10000 : i32
    %mul3A_4 = arith.muli %add3A, %mul3A_3 : i32
    "tpu.region"() ({
      %run_scoped3A_27 = tpu.sem_alloc : memref<!tpu.dma_semaphore, #tpu.memory_space<semaphore_mem>>
      %dma_start3A_28 = tpu.memref_slice %arg3[%mul3A_4] : memref<320000xi32, #tpu.memory_space<hbm>> -> memref<10000xi32, #tpu.memory_space<hbm>>
      %dma_start3A_29 = tpu.memref_slice %arg3[%mul3A_4] : memref<320000xi32, #tpu.memory_space<hbm>> -> memref<10000xi32, #tpu.memory_space<hbm>>
      tpu.enqueue_dma source(%dma_start3A_29 : memref<10000xi32, #tpu.memory_space<hbm>>) target(%arg7 : memref<10000xi32, #tpu.memory_space<vmem>>) target_semaphore(%run_scoped3A_27 : memref<!tpu.dma_semaphore, #tpu.memory_space<semaphore_mem>>)
      %dma_wait3A_30 = tpu.memref_slice %arg3[%mul3A_4] : memref<320000xi32, #tpu.memory_space<hbm>> -> memref<10000xi32, #tpu.memory_space<hbm>>
      %dma_wait3A_31 = tpu.memref_slice %arg3[%mul3A_4] : memref<320000xi32, #tpu.memory_space<hbm>> -> memref<10000xi32, #tpu.memory_space<hbm>>
      tpu.wait_dma2 semaphore(%run_scoped3A_27 : memref<!tpu.dma_semaphore, #tpu.memory_space<semaphore_mem>>) src(%dma_wait3A_31 : memref<10000xi32, #tpu.memory_space<hbm>>) dst(%arg7 : memref<10000xi32, #tpu.memory_space<vmem>>)
      tpu.yield
    }) : () -> ()
    "tpu.region"() ({
      %run_scoped3A_27 = tpu.sem_alloc : memref<!tpu.dma_semaphore, #tpu.memory_space<semaphore_mem>>
      %dma_start3A_28 = arith.constant 0 : i32
      %dma_start3A_29 = arith.constant 0 : i32
      %dma_start3A_30 = tpu.memref_slice %arg4[%add3A, %dma_start3A_28, %dma_start3A_29] : memref<32x125x80xi32, #tpu.memory_space<hbm>> -> memref<1x125x80xi32, #tpu.memory_space<hbm>>
      %dma_start3A_31 = tpu.memref_squeeze %dma_start3A_30 : memref<1x125x80xi32, #tpu.memory_space<hbm>> -> memref<125x80xi32, #tpu.memory_space<hbm>>
      %dma_start3A_32 = arith.constant 0 : i32
      %dma_start3A_33 = arith.constant 0 : i32
      %dma_start3A_34 = tpu.memref_slice %arg4[%add3A, %dma_start3A_32, %dma_start3A_33] : memref<32x125x80xi32, #tpu.memory_space<hbm>> -> memref<1x125x80xi32, #tpu.memory_space<hbm>>
      %dma_start3A_35 = tpu.memref_squeeze %dma_start3A_34 : memref<1x125x80xi32, #tpu.memory_space<hbm>> -> memref<125x80xi32, #tpu.memory_space<hbm>>
      tpu.enqueue_dma source(%dma_start3A_35 : memref<125x80xi32, #tpu.memory_space<hbm>>) target(%arg8 : memref<125x80xi32, #tpu.memory_space<vmem>>) target_semaphore(%run_scoped3A_27 : memref<!tpu.dma_semaphore, #tpu.memory_space<semaphore_mem>>)
      %dma_wait3A_36 = arith.constant 0 : i32
      %dma_wait3A_37 = arith.constant 0 : i32
      %dma_wait3A_38 = tpu.memref_slice %arg4[%add3A, %dma_wait3A_36, %dma_wait3A_37] : memref<32x125x80xi32, #tpu.memory_space<hbm>> -> memref<1x125x80xi32, #tpu.memory_space<hbm>>
      %dma_wait3A_39 = tpu.memref_squeeze %dma_wait3A_38 : memref<1x125x80xi32, #tpu.memory_space<hbm>> -> memref<125x80xi32, #tpu.memory_space<hbm>>
      %dma_wait3A_40 = arith.constant 0 : i32
      %dma_wait3A_41 = arith.constant 0 : i32
      %dma_wait3A_42 = tpu.memref_slice %arg4[%add3A, %dma_wait3A_40, %dma_wait3A_41] : memref<32x125x80xi32, #tpu.memory_space<hbm>> -> memref<1x125x80xi32, #tpu.memory_space<hbm>>
      %dma_wait3A_43 = tpu.memref_squeeze %dma_wait3A_42 : memref<1x125x80xi32, #tpu.memory_space<hbm>> -> memref<125x80xi32, #tpu.memory_space<hbm>>
      tpu.wait_dma2 semaphore(%run_scoped3A_27 : memref<!tpu.dma_semaphore, #tpu.memory_space<semaphore_mem>>) src(%dma_wait3A_43 : memref<125x80xi32, #tpu.memory_space<hbm>>) dst(%arg8 : memref<125x80xi32, #tpu.memory_space<vmem>>)
      tpu.yield
    }) : () -> ()
    %barrier3A = arith.constant 0 : index
    tpu.barrier barrier_id(%barrier3A)
    %dma_start3A = arith.constant 0 : i32
    %dma_start3A_5 = tpu.memref_slice %arg7[%dma_start3A] : memref<10000xi32, #tpu.memory_space<vmem>> -> memref<80xi32, #tpu.memory_space<vmem>>
    %dma_start3A_6 = arith.constant 0 : i32
    %dma_start3A_7 = arith.constant 0 : i32
    %dma_start3A_8 = tpu.memref_slice %arg2[%dma_start3A_6, %dma_start3A_7] : memref<10000x128xf32, #tpu.memory_space<hbm>> -> memref<10000x128xf32, #tpu.memory_space<hbm>>
    tpu.enqueue_indirect_dma source(%dma_start3A_8 : memref<10000x128xf32, #tpu.memory_space<hbm>>) target(%arg9 : memref<80x128xf32, #tpu.memory_space<vmem>>) offsets(%dma_start3A_5 : memref<80xi32, #tpu.memory_space<vmem>>) semaphore(%arg12 : memref<!tpu.dma_semaphore, #tpu.memory_space<semaphore_mem>>)
    %scan3A = arith.constant 0 : i32
    %scan3A_9 = arith.constant 0 : i32
    %scan3A_10 = arith.constant 62 : i32
    %scan3A_11 = arith.addi %scan3A_9, %scan3A_10 : i32
    %scan3A_12 = arith.constant 1 : i32
    scf.for %scan3A_27 = %scan3A_9 to %scan3A_11 step %scan3A_12  : i32 {
      %mul3A_28 = arith.constant 2 : i32
      %mul3A_29 = arith.muli %mul3A_28, %scan3A_27 : i32
      %add3A_30 = arith.constant 1 : i32
      %add3A_31 = arith.addi %mul3A_29, %add3A_30 : i32
      %mul3A_32 = arith.constant 80 : i32
      %mul3A_33 = arith.muli %add3A_31, %mul3A_32 : i32
      %dma_start3A_34 = tpu.memref_slice %arg7[%mul3A_33] : memref<10000xi32, #tpu.memory_space<vmem>> -> memref<80xi32, #tpu.memory_space<vmem>>
      %dma_start3A_35 = arith.constant 0 : i32
      %dma_start3A_36 = arith.constant 0 : i32
      %dma_start3A_37 = tpu.memref_slice %arg2[%dma_start3A_35, %dma_start3A_36] : memref<10000x128xf32, #tpu.memory_space<hbm>> -> memref<10000x128xf32, #tpu.memory_space<hbm>>
      tpu.enqueue_indirect_dma source(%dma_start3A_37 : memref<10000x128xf32, #tpu.memory_space<hbm>>) target(%arg10 : memref<80x128xf32, #tpu.memory_space<vmem>>) offsets(%dma_start3A_34 : memref<80xi32, #tpu.memory_space<vmem>>) semaphore(%arg13 : memref<!tpu.dma_semaphore, #tpu.memory_space<semaphore_mem>>)
      %dma_wait3A_38 = arith.constant 0 : i32
      %dma_wait3A_39 = arith.constant 0 : i32
      %dma_wait3A_40 = tpu.memref_slice %arg2[%dma_wait3A_38, %dma_wait3A_39] : memref<10000x128xf32, #tpu.memory_space<hbm>> -> memref<80x128xf32, #tpu.memory_space<hbm>>
      %dma_wait3A_41 = arith.constant 0 : i32
      %dma_wait3A_42 = arith.constant 0 : i32
      %dma_wait3A_43 = tpu.memref_slice %arg2[%dma_wait3A_41, %dma_wait3A_42] : memref<10000x128xf32, #tpu.memory_space<hbm>> -> memref<80x128xf32, #tpu.memory_space<hbm>>
      tpu.wait_dma2 semaphore(%arg12 : memref<!tpu.dma_semaphore, #tpu.memory_space<semaphore_mem>>) src(%dma_wait3A_43 : memref<80x128xf32, #tpu.memory_space<hbm>>) dst(%arg9 : memref<80x128xf32, #tpu.memory_space<vmem>>)
      %mul3A_44 = arith.constant 2 : i32
      %mul3A_45 = arith.muli %mul3A_44, %scan3A_27 : i32
      "tpu.region"() ({
        %run_scoped3A_66 = tpu.sem_alloc : memref<!tpu.dma_semaphore, #tpu.memory_space<semaphore_mem>>
        %dma_start3A_67 = arith.constant 0 : i32
        %dma_start3A_68 = tpu.memref_slice %arg8[%mul3A_45, %dma_start3A_67] : memref<125x80xi32, #tpu.memory_space<vmem>> -> memref<1x80xi32, #tpu.memory_space<vmem>>
        %dma_start3A_69 = tpu.memref_squeeze %dma_start3A_68 : memref<1x80xi32, #tpu.memory_space<vmem>> -> memref<80xi32, #tpu.memory_space<vmem>>
        %dma_start3A_70 = arith.constant 0 : i32
        %dma_start3A_71 = arith.constant 0 : i32
        %dma_start3A_72 = tpu.memref_slice %arg11[%dma_start3A_70, %dma_start3A_71] : memref<10240x128xf32, #tpu.memory_space<vmem_shared>> -> memref<10240x128xf32, #tpu.memory_space<vmem_shared>>
        tpu.enqueue_indirect_dma source(%arg9 : memref<80x128xf32, #tpu.memory_space<vmem>>) target(%dma_start3A_72 : memref<10240x128xf32, #tpu.memory_space<vmem_shared>>) offsets(%dma_start3A_69 : memref<80xi32, #tpu.memory_space<vmem>>) semaphore(%run_scoped3A_66 : memref<!tpu.dma_semaphore, #tpu.memory_space<semaphore_mem>>) {add = true}
        %dma_wait3A_73 = arith.constant 0 : i32
        %dma_wait3A_74 = tpu.memref_slice %arg8[%mul3A_45, %dma_wait3A_73] : memref<125x80xi32, #tpu.memory_space<vmem>> -> memref<1x80xi32, #tpu.memory_space<vmem>>
        %dma_wait3A_75 = tpu.memref_squeeze %dma_wait3A_74 : memref<1x80xi32, #tpu.memory_space<vmem>> -> memref<80xi32, #tpu.memory_space<vmem>>
        %dma_wait3A_76 = arith.constant 0 : i32
        %dma_wait3A_77 = arith.constant 0 : i32
        %dma_wait3A_78 = tpu.memref_slice %arg11[%dma_wait3A_76, %dma_wait3A_77] : memref<10240x128xf32, #tpu.memory_space<vmem_shared>> -> memref<10240x128xf32, #tpu.memory_space<vmem_shared>>
        tpu.wait_indirect_dma semaphore(%run_scoped3A_66 : memref<!tpu.dma_semaphore, #tpu.memory_space<semaphore_mem>>) src(%arg9 : memref<80x128xf32, #tpu.memory_space<vmem>>) dst(%dma_wait3A_78 : memref<10240x128xf32, #tpu.memory_space<vmem_shared>>)
        tpu.yield
      }) : () -> ()
      %mul3A_46 = arith.constant 2 : i32
      %mul3A_47 = arith.muli %mul3A_46, %scan3A_27 : i32
      %add3A_48 = arith.constant 2 : i32
      %add3A_49 = arith.addi %mul3A_47, %add3A_48 : i32
      %mul3A_50 = arith.constant 80 : i32
      %mul3A_51 = arith.muli %add3A_49, %mul3A_50 : i32
      %dma_start3A_52 = tpu.memref_slice %arg7[%mul3A_51] : memref<10000xi32, #tpu.memory_space<vmem>> -> memref<80xi32, #tpu.memory_space<vmem>>
      %dma_start3A_53 = arith.constant 0 : i32
      %dma_start3A_54 = arith.constant 0 : i32
      %dma_start3A_55 = tpu.memref_slice %arg2[%dma_start3A_53, %dma_start3A_54] : memref<10000x128xf32, #tpu.memory_space<hbm>> -> memref<10000x128xf32, #tpu.memory_space<hbm>>
      tpu.enqueue_indirect_dma source(%dma_start3A_55 : memref<10000x128xf32, #tpu.memory_space<hbm>>) target(%arg9 : memref<80x128xf32, #tpu.memory_space<vmem>>) offsets(%dma_start3A_52 : memref<80xi32, #tpu.memory_space<vmem>>) semaphore(%arg12 : memref<!tpu.dma_semaphore, #tpu.memory_space<semaphore_mem>>)
      %dma_wait3A_56 = arith.constant 0 : i32
      %dma_wait3A_57 = arith.constant 0 : i32
      %dma_wait3A_58 = tpu.memref_slice %arg2[%dma_wait3A_56, %dma_wait3A_57] : memref<10000x128xf32, #tpu.memory_space<hbm>> -> memref<80x128xf32, #tpu.memory_space<hbm>>
      %dma_wait3A_59 = arith.constant 0 : i32
      %dma_wait3A_60 = arith.constant 0 : i32
      %dma_wait3A_61 = tpu.memref_slice %arg2[%dma_wait3A_59, %dma_wait3A_60] : memref<10000x128xf32, #tpu.memory_space<hbm>> -> memref<80x128xf32, #tpu.memory_space<hbm>>
      tpu.wait_dma2 semaphore(%arg13 : memref<!tpu.dma_semaphore, #tpu.memory_space<semaphore_mem>>) src(%dma_wait3A_61 : memref<80x128xf32, #tpu.memory_space<hbm>>) dst(%arg10 : memref<80x128xf32, #tpu.memory_space<vmem>>)
      %mul3A_62 = arith.constant 2 : i32
      %mul3A_63 = arith.muli %mul3A_62, %scan3A_27 : i32
      %add3A_64 = arith.constant 1 : i32
      %add3A_65 = arith.addi %mul3A_63, %add3A_64 : i32
      "tpu.region"() ({
        %run_scoped3A_66 = tpu.sem_alloc : memref<!tpu.dma_semaphore, #tpu.memory_space<semaphore_mem>>
        %dma_start3A_67 = arith.constant 0 : i32
        %dma_start3A_68 = tpu.memref_slice %arg8[%add3A_65, %dma_start3A_67] : memref<125x80xi32, #tpu.memory_space<vmem>> -> memref<1x80xi32, #tpu.memory_space<vmem>>
        %dma_start3A_69 = tpu.memref_squeeze %dma_start3A_68 : memref<1x80xi32, #tpu.memory_space<vmem>> -> memref<80xi32, #tpu.memory_space<vmem>>
        %dma_start3A_70 = arith.constant 0 : i32
        %dma_start3A_71 = arith.constant 0 : i32
        %dma_start3A_72 = tpu.memref_slice %arg11[%dma_start3A_70, %dma_start3A_71] : memref<10240x128xf32, #tpu.memory_space<vmem_shared>> -> memref<10240x128xf32, #tpu.memory_space<vmem_shared>>
        tpu.enqueue_indirect_dma source(%arg10 : memref<80x128xf32, #tpu.memory_space<vmem>>) target(%dma_start3A_72 : memref<10240x128xf32, #tpu.memory_space<vmem_shared>>) offsets(%dma_start3A_69 : memref<80xi32, #tpu.memory_space<vmem>>) semaphore(%run_scoped3A_66 : memref<!tpu.dma_semaphore, #tpu.memory_space<semaphore_mem>>) {add = true}
        %dma_wait3A_73 = arith.constant 0 : i32
        %dma_wait3A_74 = tpu.memref_slice %arg8[%add3A_65, %dma_wait3A_73] : memref<125x80xi32, #tpu.memory_space<vmem>> -> memref<1x80xi32, #tpu.memory_space<vmem>>
        %dma_wait3A_75 = tpu.memref_squeeze %dma_wait3A_74 : memref<1x80xi32, #tpu.memory_space<vmem>> -> memref<80xi32, #tpu.memory_space<vmem>>
        %dma_wait3A_76 = arith.constant 0 : i32
        %dma_wait3A_77 = arith.constant 0 : i32
        %dma_wait3A_78 = tpu.memref_slice %arg11[%dma_wait3A_76, %dma_wait3A_77] : memref<10240x128xf32, #tpu.memory_space<vmem_shared>> -> memref<10240x128xf32, #tpu.memory_space<vmem_shared>>
        tpu.wait_indirect_dma semaphore(%run_scoped3A_66 : memref<!tpu.dma_semaphore, #tpu.memory_space<semaphore_mem>>) src(%arg10 : memref<80x128xf32, #tpu.memory_space<vmem>>) dst(%dma_wait3A_78 : memref<10240x128xf32, #tpu.memory_space<vmem_shared>>)
        tpu.yield
      }) : () -> ()
    }
    %scan3A_13 = arith.constant 62 : i32
    %dma_wait3A = arith.constant 0 : i32
    %dma_wait3A_14 = arith.constant 0 : i32
    %dma_wait3A_15 = tpu.memref_slice %arg2[%dma_wait3A, %dma_wait3A_14] : memref<10000x128xf32, #tpu.memory_space<hbm>> -> memref<80x128xf32, #tpu.memory_space<hbm>>
    %dma_wait3A_16 = arith.constant 0 : i32
    %dma_wait3A_17 = arith.constant 0 : i32
    %dma_wait3A_18 = tpu.memref_slice %arg2[%dma_wait3A_16, %dma_wait3A_17] : memref<10000x128xf32, #tpu.memory_space<hbm>> -> memref<80x128xf32, #tpu.memory_space<hbm>>
    tpu.wait_dma2 semaphore(%arg12 : memref<!tpu.dma_semaphore, #tpu.memory_space<semaphore_mem>>) src(%dma_wait3A_18 : memref<80x128xf32, #tpu.memory_space<hbm>>) dst(%arg9 : memref<80x128xf32, #tpu.memory_space<vmem>>)
    %run_scoped3A = arith.constant 124 : i32
    "tpu.region"() ({
      %run_scoped3A_27 = tpu.sem_alloc : memref<!tpu.dma_semaphore, #tpu.memory_space<semaphore_mem>>
      %dma_start3A_28 = arith.constant 0 : i32
      %dma_start3A_29 = tpu.memref_slice %arg8[%run_scoped3A, %dma_start3A_28] : memref<125x80xi32, #tpu.memory_space<vmem>> -> memref<1x80xi32, #tpu.memory_space<vmem>>
      %dma_start3A_30 = tpu.memref_squeeze %dma_start3A_29 : memref<1x80xi32, #tpu.memory_space<vmem>> -> memref<80xi32, #tpu.memory_space<vmem>>
      %dma_start3A_31 = arith.constant 0 : i32
      %dma_start3A_32 = arith.constant 0 : i32
      %dma_start3A_33 = tpu.memref_slice %arg11[%dma_start3A_31, %dma_start3A_32] : memref<10240x128xf32, #tpu.memory_space<vmem_shared>> -> memref<10240x128xf32, #tpu.memory_space<vmem_shared>>
      tpu.enqueue_indirect_dma source(%arg9 : memref<80x128xf32, #tpu.memory_space<vmem>>) target(%dma_start3A_33 : memref<10240x128xf32, #tpu.memory_space<vmem_shared>>) offsets(%dma_start3A_30 : memref<80xi32, #tpu.memory_space<vmem>>) semaphore(%run_scoped3A_27 : memref<!tpu.dma_semaphore, #tpu.memory_space<semaphore_mem>>) {add = true}
      %dma_wait3A_34 = arith.constant 0 : i32
      %dma_wait3A_35 = tpu.memref_slice %arg8[%run_scoped3A, %dma_wait3A_34] : memref<125x80xi32, #tpu.memory_space<vmem>> -> memref<1x80xi32, #tpu.memory_space<vmem>>
      %dma_wait3A_36 = tpu.memref_squeeze %dma_wait3A_35 : memref<1x80xi32, #tpu.memory_space<vmem>> -> memref<80xi32, #tpu.memory_space<vmem>>
      %dma_wait3A_37 = arith.constant 0 : i32
      %dma_wait3A_38 = arith.constant 0 : i32
      %dma_wait3A_39 = tpu.memref_slice %arg11[%dma_wait3A_37, %dma_wait3A_38] : memref<10240x128xf32, #tpu.memory_space<vmem_shared>> -> memref<10240x128xf32, #tpu.memory_space<vmem_shared>>
      tpu.wait_indirect_dma semaphore(%run_scoped3A_27 : memref<!tpu.dma_semaphore, #tpu.memory_space<semaphore_mem>>) src(%arg9 : memref<80x128xf32, #tpu.memory_space<vmem>>) dst(%dma_wait3A_39 : memref<10240x128xf32, #tpu.memory_space<vmem_shared>>)
      tpu.yield
    }) : () -> ()
    %barrier3A_19 = arith.constant 0 : index
    tpu.barrier barrier_id(%barrier3A_19)
    %mul3A_20 = arith.constant 640 : i32
    %mul3A_21 = arith.muli %arg1, %mul3A_20 : i32
    %mul3A_22 = arith.constant 10240 : i32
    %mul3A_23 = arith.muli %arg0, %mul3A_22 : i32
    %mul3A_24 = arith.constant 640 : i32
    %mul3A_25 = arith.muli %arg1, %mul3A_24 : i32
    %add3A_26 = arith.addi %mul3A_23, %mul3A_25 : i32
    "tpu.region"() ({
      %run_scoped3A_27 = tpu.sem_alloc : memref<!tpu.dma_semaphore, #tpu.memory_space<semaphore_mem>>
      %dma_start3A_28 = arith.constant 0 : i32
      %dma_start3A_29 = tpu.memref_slice %arg6[%add3A_26, %dma_start3A_28] : memref<20480x128xf32, #tpu.memory_space<hbm>> -> memref<640x128xf32, #tpu.memory_space<hbm>>
      %dma_start3A_30 = arith.constant 0 : i32
      %dma_start3A_31 = tpu.memref_slice %arg11[%mul3A_21, %dma_start3A_30] : memref<10240x128xf32, #tpu.memory_space<vmem_shared>> -> memref<640x128xf32, #tpu.memory_space<vmem_shared>>
      tpu.enqueue_dma source(%dma_start3A_31 : memref<640x128xf32, #tpu.memory_space<vmem_shared>>) target(%dma_start3A_29 : memref<640x128xf32, #tpu.memory_space<hbm>>) target_semaphore(%run_scoped3A_27 : memref<!tpu.dma_semaphore, #tpu.memory_space<semaphore_mem>>)
      %dma_wait3A_32 = arith.constant 0 : i32
      %dma_wait3A_33 = tpu.memref_slice %arg6[%add3A_26, %dma_wait3A_32] : memref<20480x128xf32, #tpu.memory_space<hbm>> -> memref<640x128xf32, #tpu.memory_space<hbm>>
      %dma_wait3A_34 = arith.constant 0 : i32
      %dma_wait3A_35 = tpu.memref_slice %arg11[%mul3A_21, %dma_wait3A_34] : memref<10240x128xf32, #tpu.memory_space<vmem_shared>> -> memref<640x128xf32, #tpu.memory_space<vmem_shared>>
      tpu.wait_dma2 semaphore(%run_scoped3A_27 : memref<!tpu.dma_semaphore, #tpu.memory_space<semaphore_mem>>) src(%dma_wait3A_35 : memref<640x128xf32, #tpu.memory_space<vmem_shared>>) dst(%dma_wait3A_33 : memref<640x128xf32, #tpu.memory_space<hbm>>)
      tpu.yield
    }) : () -> ()
    return
  }
}

module attributes {stable_mosaic.version = 14 : i64} {
  func.func @_tc_body(%arg0: i32, %arg1: memref<1280x128xf32, #tpu.memory_space<vmem>>, %arg2: memref<1280x128xf32, #tpu.memory_space<vmem>>, %arg3: memref<128x128xf32, #tpu.memory_space<vmem>>, %arg4: memref<1x128xf32, #tpu.memory_space<vmem>>, %arg5: memref<1280x128xf32, #tpu.memory_space<vmem>>) attributes {dimension_semantics = [#tpu.dimension_semantics<arbitrary>], iteration_bounds = array<i64: 8>, scalar_prefetch = 0 : i64, scratch_operands = 0 : i64, tpu.core_type = #tpu.core_type<tc>, window_params = [{transform_indices = @transform_0, window_bounds = array<i64: 1280, 128>}, {transform_indices = @transform_1, window_bounds = array<i64: 1280, 128>}, {pipeline_mode = #tpu.pipeline_mode<synchronous>, transform_indices = @transform_2, window_bounds = array<i64: 128, 128>}, {pipeline_mode = #tpu.pipeline_mode<synchronous>, transform_indices = @transform_3, window_bounds = array<i64: 1, 128>}, {transform_indices = @transform_4, window_bounds = array<i64: 1280, 128>}]} {
    %get3A = arith.constant 0 : index
    %get3A_0 = arith.constant 0 : index
    %get3A_1 = vector.load %arg1[%get3A, %get3A_0] : memref<1280x128xf32, #tpu.memory_space<vmem>>, vector<1280x128xf32>
    %get3A_2 = arith.constant 0 : index
    %get3A_3 = arith.constant 0 : index
    %get3A_4 = vector.load %arg2[%get3A_2, %get3A_3] : memref<1280x128xf32, #tpu.memory_space<vmem>>, vector<1280x128xf32>
    %add3A = arith.addf %get3A_1, %get3A_4 : vector<1280x128xf32>
    %get3A_5 = arith.constant 0 : index
    %get3A_6 = arith.constant 0 : index
    %get3A_7 = vector.load %arg3[%get3A_5, %get3A_6] : memref<128x128xf32, #tpu.memory_space<vmem>>, vector<128x128xf32>
    %dot_general3A = arith.constant dense<0.000000e+00> : vector<1280x128xf32>
    %dot_general3A_8 = tpu.matmul %add3A, %get3A_7, %dot_general3A {dimension_numbers = #tpu.dot_dimension_numbers<[1], [0], [0], [1], [0, 0, 1, 1], [], []>, transpose_lhs_hint = false} : vector<1280x128xf32>, vector<128x128xf32>, vector<1280x128xf32> -> vector<1280x128xf32>
    %get3A_9 = arith.constant 0 : index
    %get3A_10 = arith.constant 0 : index
    %get3A_11 = vector.load %arg4[%get3A_9, %get3A_10] : memref<1x128xf32, #tpu.memory_space<vmem>>, vector<1x128xf32>
    %add3A_12 = vector.broadcast %get3A_11 : vector<1x128xf32> to vector<1280x128xf32>
    %add3A_13 = arith.addf %dot_general3A_8, %add3A_12 : vector<1280x128xf32>
    %logistic3A = arith.negf %add3A_13 : vector<1280x128xf32>
    %logistic3A_14 = math.exp %logistic3A : vector<1280x128xf32>
    %logistic3A_15 = arith.constant 1.000000e+00 : f32
    %logistic3A_16 = vector.broadcast %logistic3A_15 : f32 to vector<1280x128xf32>
    %logistic3A_17 = arith.addf %logistic3A_16, %logistic3A_14 : vector<1280x128xf32>
    %logistic3A_18 = arith.divf %logistic3A_16, %logistic3A_17 : vector<1280x128xf32>
    %mul3A = arith.mulf %add3A_13, %logistic3A_18 : vector<1280x128xf32>
    %swap3A = arith.constant 0 : index
    %swap3A_19 = arith.constant 0 : index
    %swap3A_20 = vector.load %arg5[%swap3A, %swap3A_19] : memref<1280x128xf32, #tpu.memory_space<vmem>>, vector<1280x128xf32>
    tpu.vector_store %arg5[%swap3A, %swap3A_19], %mul3A {strides = array<i32>} : memref<1280x128xf32, #tpu.memory_space<vmem>>, vector<1280x128xf32>,
    return
  }
  func.func @transform_0(%arg0: i32) -> (i32, i32) {
    %c0_i32 = arith.constant 0 : i32
    %c0_i32_0 = arith.constant 0 : i32
    return %arg0, %c0_i32 : i32, i32
  }
  func.func @transform_1(%arg0: i32) -> (i32, i32) {
    %add3A = arith.constant 8 : i32
    %add3A_0 = arith.addi %add3A, %arg0 : i32
    %c0_i32 = arith.constant 0 : i32
    %c0_i32_1 = arith.constant 0 : i32
    return %add3A_0, %c0_i32 : i32, i32
  }
  func.func @transform_2(%arg0: i32) -> (i32, i32) {
    %c0_i32 = arith.constant 0 : i32
    %c0_i32_0 = arith.constant 0 : i32
    %c0_i32_1 = arith.constant 0 : i32
    return %c0_i32, %c0_i32_0 : i32, i32
  }
  func.func @transform_3(%arg0: i32) -> (i32, i32) {
    %c0_i32 = arith.constant 0 : i32
    %c0_i32_0 = arith.constant 0 : i32
    %c0_i32_1 = arith.constant 0 : i32
    return %c0_i32, %c0_i32_0 : i32, i32
  }
  func.func @transform_4(%arg0: i32) -> (i32, i32) {
    %c0_i32 = arith.constant 0 : i32
    %c0_i32_0 = arith.constant 0 : i32
    return %arg0, %c0_i32 : i32, i32
  }
}

</mosaic_0001>

<sc_bundles>
// kernel: kernel.4.cloned.1.call-start
scs
__scs_entry_jumppad:
0x0: {  	(pc) =	sbr.rel $0x88, $3  }
0x1: {  	(tag) =	ssettag $0x0;
	lr =	simm.s32 $0x1  }
0x2: {  	[smem:$0x3F9D] =	sst lr;
	_ =	strace $0xD0000000  }
0x3: {  	_ = 	snop  }
0x4: {  	_ = 	snop  }
0x5: {  	_ = 	snop  }
0x6: {  	_ = 	snop  }
0x7: {  	_ = 	snop  }
__scs_overlays_trampoline_lowered:
0x8: {  	[smem:$0x3FAC] =	sst s0  }
0x9: {  	[smem:$0x3FAD] =	sst s1  }
0xa: {  	[smem:$0x3FAE] =	sst s2  }
0xb: {  	[smem:$0x3FAF] =	sst s3  }
0xc: {  	[smem:$0x3FB0] =	sst s4  }
0xd: {  	[smem:$0x3FB1] =	sst s5  }
0xe: {  	[smem:$0x3FB2] =	sst s6  }
0xf: {  	[smem:$0x3FB3] =	sst s7  }
0x10: {  	[smem:$0x3FB4] =	sst s8  }
0x11: {  	[smem:$0x3FB5] =	sst s9;
	s0 =	simm.s32 @!p0 $0x0  }
0x12: {  	s1 =	sld [smem:$0x3F9B];
	s0 =	simm.s32 @p0 $0x1  }
0x13: {  	[smem:$0x3FB6] =	sst s0;
	s0 =	simm.s32 @!p1 $0x0  }
0x14: {  	s2 =	sld [smem:$0x3F9A];
	s0 =	simm.s32 @p1 $0x1  }
0x15: {  	[smem:$0x3FB7] =	sst s0;
	s0 =	simm.s32 @!p2 $0x0  }
0x16: {  	s3 =	sld [smem:$0x3FDB];
	s0 =	simm.s32 @p2 $0x1  }
0x17: {  	s4 =	simm.s32 $0x1BF5;
	[smem:$0x3FB9] =	sst s0  }
0x18: {  	s0 =	sld [smem:$0x3F9C];
	_ =	swait.ge [sflag:s4], $0x0  }
0x19: {  	s7 =	sld [smem:$0x3F9D]  }
0x1a: {  	s8 =	sadd.s32 $0xFFFFE003, lr  }
0x1b: {  	s9 =	sadd.s32 $0xFFFFFEF7, lr;
	s5 =	simm.s32 $0xFFFFFFFF;
	p2 =	slt.u32 s8, $0xFFFFF086  }
0x1c: {  	p1 =	slt.u32 s9, $0xF7A;
	s5 =	simm.s32 @!p2 $0x0  }
0x1d: {  	s5 =	simm.s32 @p1 $0x1;
	p0 =	seq.s32 s7, s2  }
0x1e: {  	s7 =	smul.u32 @!p0 $0xF7A, s2;
	p2 =	seq.s32 @!p0 s5, $0x0  }
0x1f: {  	s9 =	smul.u32 $0xF7A, s1;
	s8 =	simm.s32 @!p0 $0x1BF5;
	p2 =	por !p2, p0  }
0x20: {  	[sflag:s8] =	ssyncset.s32 @!p0 $0xFFFFF086;
	s6 =	sadd.s32 @!p0 s3, s7;
	s7 =	simm.s32 @!p0 $0x108  }
0x21: {  	s3 =	sadd.s32 s3, s9;
	s6 =	sadd.s32 @!p0 $0x88, s6;
	s7 =	simm.s32 @p2 $0x1082  }
0x22: {  	[simem:s7], [sflag:s8] =	dma.local @!p0 [hbm:s6], $0xF7A  }
0x23: {  	s9 =	sor.u32 $0xD0000000, s2;
	s6 =	simm.s32 $0x108;
	_ =	swait.ge @!p0 [sflag:s8], $0x0  }
0x24: {  	s3 =	sadd.s32 $0x88, s3;
	s6 =	simm.s32 @!p1 $0x1082;
	[sflag:s4] =	ssyncset.s32 $0xFFFFF086  }
0x25: {  	[simem:s6], [sflag:s4] =	dma.local [hbm:s3], $0xF7A  }
0x26: {  	[smem:$0x3F9D] =	sst s1;
	(tag) =	ssettag s2;
	_ =	strace s9  }
0x27: {  	s1 =	sld [smem:$0x3FAD]  }
0x28: {  	s2 =	sld [smem:$0x3FAE]  }
0x29: {  	s4 =	sld [smem:$0x3FB0]  }
0x2a: {  	p0 =	seq.s32 s5, $0x0;
	s5 =	sld [smem:$0x3FB1]  }
0x2b: {  	s6 =	sld [smem:$0x3FB2]  }
0x2c: {  	s7 =	sld [smem:$0x3FB3]  }
0x2d: {  	s3 =	simm.s32 $0x108;
	s8 =	sld [smem:$0x3FB4]  }
0x2e: {  	s3 =	simm.s32 @!p0 $0x1082;
	s9 =	sld [smem:$0x3FB5]  }
0x2f: {  	lr =	sadd.s32 s0, s3;
	s0 =	sld [smem:$0x3FAC]  }
0x30: {  	s3 =	sld [smem:$0x3FAF]  }
0x31: {  	[smem:$0x3FB8] =	sst s10  }
0x32: {  	s10 =	sld [smem:$0x3FB6];
	_ =	sdelay $0x3  }
0x33: {  	p0 =	seq.s32 s10, $0x1;
	s10 =	sld [smem:$0x3FB8];
	_ =	sdelay $0x3  }
0x34: {  	[smem:$0x3FB8] =	sst s10  }
0x35: {  	s10 =	sld [smem:$0x3FB7];
	_ =	sdelay $0x3  }
0x36: {  	p1 =	seq.s32 s10, $0x1;
	s10 =	sld [smem:$0x3FB8];
	_ =	sdelay $0x3  }
0x37: {  	[smem:$0x3FB8] =	sst s10  }
0x38: {  	s10 =	sld [smem:$0x3FB9]  }
0x39: {  	_ = 	snop;
	(pc) =	sbr.ind lr, $3  }
0x3a: {  	_ = 	snop  }
0x3b: {  	_ = 	snop  }
0x3c: {  	p2 =	seq.s32 s10, $0x1;
	s10 =	sld [smem:$0x3FB8]  }
0x3d: {  	_ =	shalt  }
0x3e: {  	_ =	shalt  }
0x3f: {  	_ =	shalt  }
0x40: {  	_ =	shalt  }
0x41: {  	_ =	shalt  }
0x42: {  	_ =	shalt  }
0x43: {  	_ =	shalt  }
0x44: {  	_ =	shalt  }
0x45: {  	_ =	shalt  }
0x46: {  	_ =	shalt  }
0x47: {  	_ =	shalt  }
0x48: {  	_ =	shalt  }
0x49: {  	_ =	shalt  }
0x4a: {  	_ =	shalt  }
0x4b: {  	_ =	shalt  }
0x4c: {  	_ =	shalt  }
0x4d: {  	_ =	shalt  }
0x4e: {  	_ =	shalt  }
0x4f: {  	_ =	shalt  }
0x50: {  	_ =	shalt  }
0x51: {  	_ =	shalt  }
0x52: {  	_ =	shalt  }
0x53: {  	_ =	shalt  }
0x54: {  	_ =	shalt  }
0x55: {  	_ =	shalt  }
0x56: {  	_ =	shalt  }
0x57: {  	_ =	shalt  }
0x58: {  	_ =	shalt  }
0x59: {  	_ =	shalt  }
0x5a: {  	_ =	shalt  }
0x5b: {  	_ =	shalt  }
0x5c: {  	_ =	shalt  }
0x5d: {  	_ =	shalt  }
0x5e: {  	_ =	shalt  }
0x5f: {  	_ =	shalt  }
0x60: {  	_ =	shalt  }
0x61: {  	_ =	shalt  }
0x62: {  	_ =	shalt  }
0x63: {  	_ =	shalt  }
0x64: {  	_ =	shalt  }
0x65: {  	_ =	shalt  }
0x66: {  	_ =	shalt  }
0x67: {  	_ =	shalt  }
0x68: {  	_ =	shalt  }
0x69: {  	_ =	shalt  }
0x6a: {  	_ =	shalt  }
0x6b: {  	_ =	shalt  }
0x6c: {  	_ =	shalt  }
0x6d: {  	_ =	shalt  }
0x6e: {  	_ =	shalt  }
0x6f: {  	_ =	shalt  }
0x70: {  	_ =	shalt  }
0x71: {  	_ =	shalt  }
0x72: {  	_ =	shalt  }
0x73: {  	_ =	shalt  }
0x74: {  	_ =	shalt  }
0x75: {  	_ =	shalt  }
0x76: {  	_ =	shalt  }
0x77: {  	_ =	shalt  }
0x78: {  	_ =	shalt  }
0x79: {  	_ =	shalt  }
0x7a: {  	_ =	shalt  }
0x7b: {  	_ =	shalt  }
0x7c: {  	_ =	shalt  }
0x7d: {  	_ =	shalt  }
0x7e: {  	_ =	shalt  }
0x7f: {  	_ =	shalt  }
0x80: {  	_ =	shalt  }
0x81: {  	_ =	shalt  }
0x82: {  	_ =	shalt  }
0x83: {  	_ =	shalt  }
0x84: {  	_ =	shalt  }
0x85: {  	_ =	shalt  }
0x86: {  	_ =	shalt  }
0x87: {  	_ =	shalt  }
.Lfunc_end0:
.L_simem_size_0:
called_computation_lowered:
.L_overlay_start_0:
0x88: {  	s2 =	sld [smem:$0x3FD9]  }
0x89: {  	s3 =	sld [smem:$0x3FFE];
	_ =	sdelay $0x1  }
0x8a: {  	s1 =	srdreg.scid  }
0x8b: {  	s0 =	sand.u32 $0x1, s1  }
0x8c: {  	s17 =	sshll.u32 s0, $0xA;
	s2 =	sadd.s32 s3, s2  }
0x8d: {  	s2 =	sadd.s32 s2, s17  }
0x8e: {  	[smem:$0x3FC4] =	sst s2  }
0x8f: {  	_ = 	snop  }
0x90: {  	s2 =	sld [smem:$0x3FC9]  }
0x91: {  	s18 =	sld [smem:$0x3FD0];
	(tm) =	ssettm $0x1  }
0x92: {  	s4 =	sld [smem:$0x3FFB];
	_ =	sdelay $0x3  }
0x93: {  	_ =	strace s4  }
0x94: {  	s4 =	sld [smem:$0x3FFC];
	_ =	sdelay $0x3  }
0x95: {  	_ =	strace s4  }
0x96: {  	s4 =	sld [smem:$0x3FFD];
	_ =	sdelay $0x3  }
0x97: {  	_ =	strace s4  }
0x98: {  	_ =	strace $0x8FFFFFFF  }
0x99: {  	s19 =	sld [smem:$0x3FDB];
	_ =	sdelay $0x1  }
0x9a: {  	s5 =	simm.s32 $_scs_section_size  }
0x9b: {  	s6 =	simm.s32 $_size__tile_overlayer_lowered;
	s7 =	simm.s32 $_tile_overlayer_lowered  }
0x9c: {  	s22 =	simm.s32 $0x1BFF;
	s21 =	sshll.u32 s7, $0x1;
	s4 =	sadd.s32 s5, s19  }
0x9d: {  	s8 =	simm.s32 $0x0;
	s20 =	sshll.u32 s6, $0x1;
	s6 =	sadd.s32 s21, s4  }
0x9e: {  	[timem:s8], [sflag:s22] =	dma.local [hbm:s6], s20  }
0x9f: {  	_ =	swait.ge [sflag:s22], s20  }
0xa0: {  	s5 =	ssub.s32 $0x0, s20;
	[sflag:s22] =	ssyncset.done $0x0  }
0xa1: {  	[sflag:s22] =	ssyncadd.s32 s5;
	_ =	sdelay $0x1  }
0xa2: {  	s23 =	simm.s32 $0x1B8B  }
0xa3: {  	_ =	swait.ge [sflag:s23], $0x1  }
0xa4: {  	[sflag:s23] =	ssyncset.done $0x0  }
0xa5: {  	s25 =	simm.s32 $0x1B8E;
	s24 =	sld [smem:$0x3FFE];
	[sflag:s23] =	ssyncadd.s32 $0xFFFFFFFF  }
0xa6: {  	s26 =	simm.s32 $execute0_lowered;
	[smem:$0x3FD2] =	sst s25  }
0xa7: {  	s6 =	sshll.u32 s26, $0x1;
	_ =	strace $0x80000046;
	[dreg:$0x1] =	wrdreg $0xFFFFFFFF  }
0xa8: {  	s28 =	simm.s32 $_size_execute0_lowered;
	s4 =	sadd.s32 s4, s6;
	[dreg:$0x0] =	wrdreg $0x0  }
0xa9: {  	s6 =	sshll.u32 s28, $0x1;
	[dreg:$0x2] =	wrdreg s4  }
0xaa: {  	[dreg:$0x3] =	wrdreg s6  }
0xab: {  	[dreg:$0x4] =	wrdreg $0xC0  }
0xac: {  	_ =	task [dreg:s8], $0x5FFFF  }
0xad: {  	[dreg:$0x1] =	wrdreg $0xFFFFFFFF  }
0xae: {  	[dreg:$0x0] =	wrdreg $0x60  }
0xaf: {  	[dreg:$0x2] =	wrdreg s2  }
0xb0: {  	[dreg:$0x3] =	wrdreg s24  }
0xb1: {  	[dreg:$0x4] =	wrdreg s18  }
0xb2: {  	[dreg:$0x5] =	wrdreg $0xB7800  }
0xb3: {  	[dreg:$0x6] =	wrdreg $0x9  }
0xb4: {  	_ =	task.clear_ibuf [dreg:s8], $0x7FFFF;
	_ =	strace $0x90000046  }
0xb5: {  	s29 =	simm.s32 $0x9;
	_ =	strace $0x80000048  }
0xb6: {  	_ =	swait.ge [sflag:s29], $0x1  }
0xb7: {  	[sflag:s29] =	ssyncadd.s32 $0xFFFFFFFF  }
0xb8: {  	_ =	strace $0x90000048  }
0xb9: {  	_ =	sfence  }
0xba: {  	s30 =	sld [smem:$0x0];
	_ =	sdelay $0x2  }
0xbb: {  	s31 =	sshll.u32 s1, $0xD;
	s1 =	sshrl.u32 s1, $0x2  }
0xbc: {  	s3 =	sand.u32 $0x4000, s31;
	s1 =	sadd.s32 s1, s30  }
0xbd: {  	s0 =	sor.u32 s3, s0;
	s1 =	sshll.u32 s1, $0x11  }
0xbe: {  	s0 =	sor.u32 s1, s0  }
0xbf: {  	s0 =	sadd.s32 $0x8F2B, s0  }
0xc0: {  	[sflag:s0] =	ssyncadd.remote.s32 $0x1  }
0xc1: {  	_ =	sfence.sel $0xFFFF  }
0xc2: {  	[dreg:$0x0] =	wrdreg $0xFFFFFFFF;
	(pc) =	sbr.abs _section_cstart, $3  }
0xc3: {  	[dreg:$0x1] =	wrdreg $0xFFFFFFFF  }
0xc4: {  	_ =	task.clear_ibuf [dreg:s8], $0x2FFFF;
	_ =	strace $0x9FFFFFFF  }
0xc5: {  	(tm) =	ssettm $0x7FFFFFFF  }
tec
execute0_lowered:
.L_overlay_start_1:
0x0: {  	(tag) =	ssettag $0x1  }
0x1: {  	s1 =	rddreg [dreg:$0x0]  }
0x2: {  	s6 =	rddreg [dreg:$0x1]  }
0x3: {  	s2 =	srdreg.scid;
	s8 =	rddreg [dreg:$0x2]  }
0x4: {  	s0 =	stileid.u32;
	s3 =	rddreg [dreg:$0x3];
	s4 =	simm.s32 $0x0  }
0x5: {  	s14 =	simm.s32 $0x50;
	s15 =	simm.s32 $0x6780;
	s16 =	simm.s32 $0x8F80  }
0x6: {  	s17 =	simm.s32 $0x1;
	s18 =	simm.s32 $0x2;
	s19 =	simm.s32 $0x6580  }
0x7: {  	s20 =	simm.s32 $0x0;
	s5 =	sand.u32 $0x1, s2;
	s2 =	rddreg [dreg:$0x4]  }
0x8: {  	s25 =	sshll.u32 s0, $0x1;
	[smem:$0x7FF] =	sst s4;
	s10 =	smul.u32 $0x2800, s0  }
0x9: {  	s13 =	smul.u32 $0x50000, s0;
	s30 =	sshll.u32 s0, $0x6;
	s7 =	sor.u32 s5, s25  }
0xa: {  	_ =	strace $0x80000047;
	s11 =	smul.u32 $0x28000, s5;
	s12 =	ssub.s32 $0x2, s5  }
0xb: {  	s5 =	sadd.s32 $0xA000, s6;
	s9 =	smul.u32 $0x4E2, s7;
	s26 =	sshrl.u32 s12, $0x1  }
0xc: {  	s28 =	sshrl.u32 s13, $0x2;
	s31 =	sshll.u32 s7, $0xB;
	s13 =	simm.s32 $0x2780  }
0xd: {  	s10 =	sadd.s32 s10, s11;
	s11 =	ssub.s32 s12, s26;
	s29 =	sadd.s32 s28, s3  }
0xe: {  	s8 =	sadd.s32 s8, s31;
	s12 =	simm.s32 $0x3;
	s9 =	sadd.s32 s9, s6  }
0xf: {  	s10 =	sadd.s32 s10, s6;
	s6 =	sor.u32 $0x1C03, s30;
	s7 =	sadd.s32 $0x200, s9  }
0x10: {  	s9 =	sadd.s32 $0xC800, s10;
	s10 =	smax.u32 s11, $0x1;
	s11 =	sshrl.u32 s29, $0x3  }
.LBB2_1:
0x11: {  	[spmem:s11], [sflag:s6] =	dma.local [hbm:s5], $0x2800  }
0x12: {  	_ =	swait.ge [sflag:s12], $0x2800  }
0x13: {  	[sflag:s12] =	ssyncset.done $0x0  }
0x14: {  	[sflag:s12] =	ssyncadd.s32 $0xFFFFD800  }
0x15: {  	[tilespmem:s4], [sflag:$0x3] =	stream.linear.gather [hbm4b:s7+s4], $0x2710, $0x38;
	[tilespmem:$0x1F780] =	vst v63  }
0x16: {  	_ =	swait.ge [sflag:s12], $0x2710  }
0x17: {  	[sflag:s12] =	ssyncset.done $0x0  }
0x18: {  	[sflag:s12] =	ssyncadd.s32 $0xFFFFD8F0  }
0x19: {  	[tilespmem:s13], [sflag:$0x3] =	stream.linear.gather [hbm4b:s8+s4], $0x3E80, $0x38;
	[tilespmem:$0x1F780] =	vst v63  }
0x1a: {  	_ =	swait.ge [sflag:s12], $0x3E80  }
0x1b: {  	[sflag:s12] =	ssyncset.done $0x0  }
0x1c: {  	[sflag:s12] =	ssyncadd.s32 $0xFFFFC180  }
0x1d: {  	[bflag:$0x0] =	sbarrier.arrive $0xFFFF  }
0x1e: {  	[tilespmem:s15], [sflag:$0x1] =	stream.indirect.gather [hbm4b:s1+s14], $0x80, s4, s14, $0xb8;
	[tilespmem:$0x1F780] =	vst v63  }
0x1f: {  	s21 =	simm.s32 $0x50  }
0x20: {  	[tilespmem:s16], [sflag:$0x2] =	stream.indirect.gather [hbm4b:s1+s14], $0x80, s21, s14, $0xb8;
	[tilespmem:$0x1F780] =	vst v63  }
0x21: {  	_ =	swait.ge [sflag:s17], $0x2800  }
0x22: {  	[sflag:s17] =	ssyncset.done $0x0  }
0x23: {  	s29 =	simm.s32 $0x2780;
	[sflag:s17] =	ssyncadd.s32 $0xFFFFD800  }
0x24: {  	[spmem:s3] =	stream.indirect.scatter.add.f32 [tilespmem:s15], [sflag:$0x3], $0x80, s29, s14, $0xb8;
	[tilespmem:$0x1F780] =	vst v63  }
0x25: {  	_ =	swait.ge [sflag:s12], $0x2800  }
0x26: {  	[sflag:s12] =	ssyncset.done $0x0  }
0x27: {  	s30 =	simm.s32 $0xA0;
	[sflag:s12] =	ssyncadd.s32 $0xFFFFD800  }
0x28: {  	[tilespmem:s15], [sflag:$0x1] =	stream.indirect.gather [hbm4b:s1+s14], $0x80, s30, s14, $0xb8;
	[tilespmem:$0x1F780] =	vst v63  }
0x29: {  	_ =	swait.ge [sflag:s18], $0x2800  }
0x2a: {  	[sflag:s18] =	ssyncset.done $0x0  }
0x2b: {  	s31 =	simm.s32 $0x2800;
	[sflag:s18] =	ssyncadd.s32 $0xFFFFD800  }
0x2c: {  	[spmem:s3] =	stream.indirect.scatter.add.f32 [tilespmem:s16], [sflag:$0x3], $0x80, s31, s14, $0xb8;
	[tilespmem:$0x1F780] =	vst v63  }
0x2d: {  	s22 =	simm.s32 $0x400;
	_ =	swait.ge [sflag:s12], $0x2800  }
0x2e: {  	s23 =	simm.s32 $0x800;
	s21 =	simm.s32 $0x140;
	[sflag:s12] =	ssyncset.done $0x0  }
.LBB2_2:
0x2f: {  	p0 =	sne.s32 s23, $0xF400;
	s24 =	sadd.s32 $0xFFFFFFB0, s21;
	[sflag:s12] =	ssyncadd.s32 $0xFFFFD800  }
0x30: {  	[tilespmem:s16], [sflag:$0x2] =	stream.indirect.gather [hbm4b:s1+s14], $0x80, s24, s14, $0xb8;
	[tilespmem:$0x1F780] =	vst v63  }
0x31: {  	s24 =	smov.u32 s23;
	s23 =	sadd.s32 $0x400, s23;
	_ =	swait.ge [sflag:s17], $0x2800  }
0x32: {  	s25 =	sshra.s32 s22, $0x2;
	s22 =	smov.u32 s24;
	[sflag:s17] =	ssyncset.done $0x0  }
0x33: {  	s24 =	sadd.s32 $0x2780, s25;
	[sflag:s17] =	ssyncadd.s32 $0xFFFFD800  }
0x34: {  	[spmem:s3] =	stream.indirect.scatter.add.f32 [tilespmem:s15], [sflag:$0x3], $0x80, s24, s14, $0xb8;
	[tilespmem:$0x1F780] =	vst v63  }
0x35: {  	_ =	swait.ge [sflag:s12], $0x2800  }
0x36: {  	[sflag:s12] =	ssyncset.done $0x0  }
0x37: {  	[sflag:s12] =	ssyncadd.s32 $0xFFFFD800  }
0x38: {  	[tilespmem:s15], [sflag:$0x1] =	stream.indirect.gather [hbm4b:s1+s14], $0x80, s21, s14, $0xb8;
	[tilespmem:$0x1F780] =	vst v63  }
0x39: {  	_ =	swait.ge [sflag:s18], $0x2800  }
.Ltmp0:
0x3a: {  	[sflag:s18] =	ssyncset.done $0x0;
	(pc) =	sbr.rel @p0 .LBB2_2-.Ltmp0, $4  }
0x3b: {  	s24 =	sadd.s32 $0x2800, s25;
	[sflag:s18] =	ssyncadd.s32 $0xFFFFD800  }
0x3c: {  	[spmem:s3] =	stream.indirect.scatter.add.f32 [tilespmem:s16], [sflag:$0x3], $0x80, s24, s14, $0xb8;
	[tilespmem:$0x1F780] =	vst v63  }
0x3d: {  	_ =	swait.ge [sflag:s12], $0x2800  }
0x3e: {  	s21 =	sadd.s32 $0xA0, s21;
	[sflag:s12] =	ssyncset.done $0x0  }
0x3f: {  	s23 =	sadd.s32 $0xFFFFFFB0, s21;
	[sflag:s12] =	ssyncadd.s32 $0xFFFFD800  }
0x40: {  	[tilespmem:s16], [sflag:$0x2] =	stream.indirect.gather [hbm4b:s1+s14], $0x80, s23, s14, $0xb8;
	[tilespmem:$0x1F780] =	vst v63  }
0x41: {  	_ =	swait.ge [sflag:s17], $0x2800  }
0x42: {  	s22 =	sshra.s32 s22, $0x2;
	[sflag:s17] =	ssyncset.done $0x0  }
0x43: {  	s30 =	sadd.s32 $0x2780, s22;
	[sflag:s17] =	ssyncadd.s32 $0xFFFFD800  }
0x44: {  	[spmem:s3] =	stream.indirect.scatter.add.f32 [tilespmem:s15], [sflag:$0x3], $0x80, s30, s14, $0xb8;
	[tilespmem:$0x1F780] =	vst v63  }
0x45: {  	_ =	swait.ge [sflag:s12], $0x2800  }
0x46: {  	[sflag:s12] =	ssyncset.done $0x0  }
0x47: {  	[sflag:s12] =	ssyncadd.s32 $0xFFFFD800  }
0x48: {  	[tilespmem:s15], [sflag:$0x1] =	stream.indirect.gather [hbm4b:s1+s14], $0x80, s21, s14, $0xb8;
	[tilespmem:$0x1F780] =	vst v63  }
0x49: {  	_ =	swait.ge [sflag:s18], $0x2800  }
0x4a: {  	[sflag:s18] =	ssyncset.done $0x0  }
0x4b: {  	s31 =	sadd.s32 $0x2800, s22;
	[sflag:s18] =	ssyncadd.s32 $0xFFFFD800  }
0x4c: {  	[spmem:s3] =	stream.indirect.scatter.add.f32 [tilespmem:s16], [sflag:$0x3], $0x80, s31, s14, $0xb8;
	[tilespmem:$0x1F780] =	vst v63  }
0x4d: {  	_ =	swait.ge [sflag:s12], $0x2800  }
0x4e: {  	[sflag:s12] =	ssyncset.done $0x0  }
0x4f: {  	[sflag:s12] =	ssyncadd.s32 $0xFFFFD800  }
0x50: {  	_ =	swait.ge [sflag:s17], $0x2800  }
0x51: {  	[sflag:s17] =	ssyncset.done $0x0  }
0x52: {  	[sflag:s17] =	ssyncadd.s32 $0xFFFFD800  }
0x53: {  	[spmem:s3] =	stream.indirect.scatter.add.f32 [tilespmem:s15], [sflag:$0x3], $0x80, s19, s14, $0xb8;
	[tilespmem:$0x1F780] =	vst v63  }
0x54: {  	_ =	swait.ge [sflag:s12], $0x2800  }
0x55: {  	s20 =	sadd.s32 $0x1, s20;
	[sflag:s12] =	ssyncset.done $0x0  }
0x56: {  	p0 =	sne.s32 s20, s10;
	[sflag:s12] =	ssyncadd.s32 $0xFFFFD800  }
.Ltmp1:
0x57: {  	[bflag:$0x0] =	sbarrier.arrive $0xFFFF;
	(pc) =	sbr.rel @p0 .LBB2_1-.Ltmp1, $4  }
0x58: {  	[hbm:s9], [sflag:s6] =	dma.local [spmem:s11], $0x2800  }
0x59: {  	_ =	swait.ge [sflag:s12], $0x2800  }
0x5a: {  	[sflag:s12] =	ssyncset.done $0x0  }
0x5b: {  	[sflag:s12] =	ssyncadd.s32 $0xFFFFD800  }
0x5c: {  	_ =	sfence.sel $0x180000  }
0x5d: {  	[bflag:$0x0] =	sbarrier.arrive $0xFFFF  }
0x5e: {  	p0 =	sne.s32 s0, $0x0;
	_ =	strace $0x90000047  }
0x5f: {  	s0 =	sadd.s32 @!p0 $0x100000, s2;
	[bflag:$0x2] =	sbarrier.arrive $0xFFFF  }
0x60: {  	[sflag:s0] =	ssyncadd.tile.s32 @!p0 $0x1;
	_ =	shalt  }
.Lfunc_end2:
_tile_overlayer_lowered:
.L_overlay_start_2:
0x61: {  	(tag) =	ssettag $0x2  }
0x62: {  	s0 =	rddreg [dreg:$0x0];
	s2 =	stileid.u32  }
0x63: {  	s1 =	rddreg [dreg:$0x1];
	p0 =	sne.s32 s2, $0x0  }
0x64: {  	s3 =	rddreg [dreg:$0x2];
	[bflag:$0x3] =	sbarrier.arrive $0xFFFF;
	s2 =	simm.s32 @!p0 $0x1C03  }
0x65: {  	[timem:s3], [sflag:s2] =	dma.local @!p0 [hbm:s0], s1  }
0x66: {  	s0 =	simm.s32 @!p0 $0x3  }
0x67: {  	_ =	swait.ge @!p0 [sflag:s0], s1  }
0x68: {  	s1 =	ssub.s32 @!p0 $0x0, s1;
	[sflag:s0] =	ssyncset.done @!p0 $0x0  }
0x69: {  	[sflag:s0] =	ssyncadd.s32 @!p0 s1  }
0x6a: {  	[bflag:$0x3] =	sbarrier.arrive $0xFFFF  }
0x6b: {  	_ =	shalt  }

</sc_bundles>
